<compile_context>
chip_gen: v7x
topology: tpu7x:2x2x1
jax: 0.10.2.dev20260603
libtpu: 0.0.44.dev20260713+nightly
codegen_flags: <defaults>
</compile_context>

<pallas_src>
import functools

import jax
import jax.numpy as jnp
from jax import lax
from jax.experimental import pallas as pl
from jax.experimental.pallas import tpu as pltpu
from jax.experimental.pallas import tpu_sc as plsc

_LANES = 16
_EMB = 128


def _shuffle(x, idx):
    return lax.gather(
        x, idx[:, None],
        dimension_numbers=lax.GatherDimensionNumbers(
            offset_dims=(), collapsed_slice_dims=(0,),
            start_index_map=(0,)),
        slice_sizes=(1,),
        mode=lax.GatherScatterMode.PROMISE_IN_BOUNDS)


def _sc_body(pos_hbm, neg_hbm, u_hbm, v_hbm, out_hbm,
             pos_v, neg_v, u_pos, v_pos, u_neg, v_neg, out_v, sem, gsem):
    cp = pltpu.async_copy(pos_hbm, pos_v, sem)
    cn = pltpu.async_copy(neg_hbm, neg_v, sem)
    cp.wait()
    cn.wait()
    g1 = pltpu.async_copy(u_hbm.at[pos_v], u_pos, gsem)
    g2 = pltpu.async_copy(v_hbm.at[pos_v], v_pos, gsem)
    g3 = pltpu.async_copy(u_hbm.at[neg_v], u_neg, gsem)
    g4 = pltpu.async_copy(v_hbm.at[neg_v], v_neg, gsem)
    g1.wait()
    g2.wait()
    g3.wait()
    g4.wait()

    acc_p = jnp.zeros((_LANES,), jnp.float32)
    acc_n = jnp.zeros((_LANES,), jnp.float32)
    for j in range(_EMB // _LANES):
        sl = pl.ds(j * _LANES, _LANES)
        acc_p = acc_p + u_pos[0, sl] * v_pos[1, sl]
        acc_n = acc_n + u_neg[0, sl] * v_neg[1, sl]

    lane = lax.iota(jnp.int32, _LANES)

    fold8 = jnp.bitwise_and(lane + 8, _LANES - 1)
    p8 = acc_p + _shuffle(acc_p, fold8)
    n8 = acc_n + _shuffle(acc_n, fold8)
    m = jnp.where(lane < 8, p8, n8)
    half = jnp.bitwise_and(lane, 8)
    for s in (4, 2, 1):
        idx = jnp.bitwise_or(half, jnp.bitwise_and(lane + s, 7))
        m = m + _shuffle(m, idx)

    a = jnp.where(lane < 8, m, -m)
    t = jnp.exp(-jnp.abs(a))
    z = 1.0 + t
    log1p_t = 2.0 * t / (2.0 + t)
    for _ in range(3):
        log1p_t = log1p_t + z * jnp.exp(-log1p_t) - 1.0
    y = jnp.maximum(-a, 0.0) + log1p_t

    out_v[...] = y + _shuffle(y, fold8)
    pltpu.sync_copy(out_v.at[pl.ds(0, 1)], out_hbm)


def kernel(target_context_pos_word_id_pair, target_context_neg_word_id_pair,
           u_embeddings, v_embeddings):
    pos = target_context_pos_word_id_pair.astype(jnp.int32)
    neg = target_context_neg_word_id_pair.astype(jnp.int32)

    mesh = plsc.VectorSubcoreMesh(core_axis_name="c", subcore_axis_name="s",
                                  num_cores=1, num_subcores=1)
    run = functools.partial(
        pl.kernel,
        mesh=mesh,
        out_type=jax.ShapeDtypeStruct((1,), jnp.float32),
        scratch_types=[
            pltpu.VMEM((2,), jnp.int32),
            pltpu.VMEM((2,), jnp.int32),
            pltpu.VMEM((2, _EMB), jnp.float32),
            pltpu.VMEM((2, _EMB), jnp.float32),
            pltpu.VMEM((2, _EMB), jnp.float32),
            pltpu.VMEM((2, _EMB), jnp.float32),
            pltpu.VMEM((_LANES,), jnp.float32),
            pltpu.SemaphoreType.DMA,
            pltpu.SemaphoreType.DMA,
        ],
    )(_sc_body)
    return run(pos, neg, u_embeddings, v_embeddings)

# --- scband reference (transcript-rebuilt; emitter-appended) ---
"""Pipeline reference for scband-skip-gram-23029614641831 (READ-ONLY COPY).

The authoritative reference and input builder live on the scoring server;
editing this copy changes nothing except your own understanding.
"""

import jax, jax.numpy as jnp
import numpy as np

VOCAB = 100000
EMB = 128


def setup_inputs(seed: int = 0) -> dict:
    key = jax.random.key(seed)
    k1, k2, k3, k4 = jax.random.split(key, 4)
    init_range = 0.5 / EMB
    pos_pair = jax.random.randint(k1, (2,), 0, VOCAB)
    neg_pair = jax.random.randint(k2, (2,), 0, VOCAB)
    u_embeddings = jax.random.uniform(k3, (VOCAB, EMB), dtype=jnp.float32, minval=-init_range, maxval=init_range)
    # torch init sets v_embeddings to zeros; we use a small uniform so the
    # computation (and any grads) are non-degenerate.
    v_embeddings = jax.random.uniform(k4, (VOCAB, EMB), dtype=jnp.float32, minval=-init_range, maxval=init_range)
    return {
        "target_context_pos_word_id_pair": pos_pair,
        "target_context_neg_word_id_pair": neg_pair,
        "u_embeddings": u_embeddings,
        "v_embeddings": v_embeddings,
    }


def reference(target_context_pos_word_id_pair, target_context_neg_word_id_pair, u_embeddings, v_embeddings):
    # pair[0] = target word id, pair[1:] = context word id list (length 1 here)
    def pair_score(pair, sign):
        u_inp = pair[0:1][None, :]  # [1, 1] like LongTensor([[target_id]])
        v_inp = pair[1:2][None, :]  # [1, L] like LongTensor([context_ids]), L=1
        u_embed = jnp.sum(jnp.take(u_embeddings, u_inp, axis=0), axis=1)  # [1, D]
        v_embed = jnp.sum(jnp.take(v_embeddings, v_inp, axis=0), axis=1)  # [1, D]
        return jax.nn.log_sigmoid(sign * jnp.sum(u_embed * v_embed, axis=1))  # [1]

    pos_score = pair_score(target_context_pos_word_id_pair, 1.0)
    neg_score = pair_score(target_context_neg_word_id_pair, -1.0)
    return -1.0 * (pos_score + neg_score)

if __name__ == "__main__":
    import jax
    _d = setup_inputs()
    print(jax.jit(kernel)(*tuple(_d.values())))

</pallas_src>

<mosaic_0001>
#map = affine_map<(d0, d1) -> (0)>
#map1 = affine_map<(d0, d1) -> (0, 0)>
module attributes {stable_mosaic.version = 14 : i64} {
  func.func @_sc_body(%arg0: i32, %arg1: i32, %arg2: memref<2xi32, #tpu.memory_space<hbm>>, %arg3: memref<2xi32, #tpu.memory_space<hbm>>, %arg4: memref<100000x128xf32, #tpu.memory_space<hbm>>, %arg5: memref<100000x128xf32, #tpu.memory_space<hbm>>, %arg6: memref<1xf32, #tpu.memory_space<hbm>>, %arg7: memref<2xi32, #tpu.memory_space<vmem>>, %arg8: memref<2xi32, #tpu.memory_space<vmem>>, %arg9: memref<2x128xf32, #tpu.memory_space<vmem>>, %arg10: memref<2x128xf32, #tpu.memory_space<vmem>>, %arg11: memref<2x128xf32, #tpu.memory_space<vmem>>, %arg12: memref<2x128xf32, #tpu.memory_space<vmem>>, %arg13: memref<16xf32, #tpu.memory_space<vmem>>, %arg14: memref<!tpu.dma_semaphore, #tpu.memory_space<semaphore_mem>>, %arg15: memref<!tpu.dma_semaphore, #tpu.memory_space<semaphore_mem>>) attributes {dimension_semantics = [#tpu.dimension_semantics<core_parallel>, #tpu.dimension_semantics<subcore_parallel>], iteration_bounds = array<i64: 1, 1>, scalar_prefetch = 0 : i64, scratch_operands = 9 : i64, tpu.core_type = #tpu.core_type<sc_vector_subcore>, window_params = [{transform_indices = #map}, {transform_indices = #map}, {transform_indices = #map1}, {transform_indices = #map1}, {transform_indices = #map}]} {
    tpu.enqueue_dma source(%arg2 : memref<2xi32, #tpu.memory_space<hbm>>) target(%arg7 : memref<2xi32, #tpu.memory_space<vmem>>) target_semaphore(%arg14 : memref<!tpu.dma_semaphore, #tpu.memory_space<semaphore_mem>>)
    tpu.enqueue_dma source(%arg3 : memref<2xi32, #tpu.memory_space<hbm>>) target(%arg8 : memref<2xi32, #tpu.memory_space<vmem>>) target_semaphore(%arg14 : memref<!tpu.dma_semaphore, #tpu.memory_space<semaphore_mem>>)
    tpu.wait_dma2 semaphore(%arg14 : memref<!tpu.dma_semaphore, #tpu.memory_space<semaphore_mem>>) src(%arg2 : memref<2xi32, #tpu.memory_space<hbm>>) dst(%arg7 : memref<2xi32, #tpu.memory_space<vmem>>)
    tpu.wait_dma2 semaphore(%arg14 : memref<!tpu.dma_semaphore, #tpu.memory_space<semaphore_mem>>) src(%arg3 : memref<2xi32, #tpu.memory_space<hbm>>) dst(%arg8 : memref<2xi32, #tpu.memory_space<vmem>>)
    %dma_start3A = arith.constant 0 : i32
    %dma_start3A_0 = arith.constant 0 : i32
    %dma_start3A_1 = tpu.memref_slice %arg4[%dma_start3A, %dma_start3A_0] : memref<100000x128xf32, #tpu.memory_space<hbm>> -> memref<100000x128xf32, #tpu.memory_space<hbm>>
    tpu.enqueue_indirect_dma source(%dma_start3A_1 : memref<100000x128xf32, #tpu.memory_space<hbm>>) target(%arg9 : memref<2x128xf32, #tpu.memory_space<vmem>>) offsets(%arg7 : memref<2xi32, #tpu.memory_space<vmem>>) semaphore(%arg15 : memref<!tpu.dma_semaphore, #tpu.memory_space<semaphore_mem>>)
    %dma_start3A_2 = arith.constant 0 : i32
    %dma_start3A_3 = arith.constant 0 : i32
    %dma_start3A_4 = tpu.memref_slice %arg5[%dma_start3A_2, %dma_start3A_3] : memref<100000x128xf32, #tpu.memory_space<hbm>> -> memref<100000x128xf32, #tpu.memory_space<hbm>>
    tpu.enqueue_indirect_dma source(%dma_start3A_4 : memref<100000x128xf32, #tpu.memory_space<hbm>>) target(%arg10 : memref<2x128xf32, #tpu.memory_space<vmem>>) offsets(%arg7 : memref<2xi32, #tpu.memory_space<vmem>>) semaphore(%arg15 : memref<!tpu.dma_semaphore, #tpu.memory_space<semaphore_mem>>)
    %dma_start3A_5 = arith.constant 0 : i32
    %dma_start3A_6 = arith.constant 0 : i32
    %dma_start3A_7 = tpu.memref_slice %arg4[%dma_start3A_5, %dma_start3A_6] : memref<100000x128xf32, #tpu.memory_space<hbm>> -> memref<100000x128xf32, #tpu.memory_space<hbm>>
    tpu.enqueue_indirect_dma source(%dma_start3A_7 : memref<100000x128xf32, #tpu.memory_space<hbm>>) target(%arg11 : memref<2x128xf32, #tpu.memory_space<vmem>>) offsets(%arg8 : memref<2xi32, #tpu.memory_space<vmem>>) semaphore(%arg15 : memref<!tpu.dma_semaphore, #tpu.memory_space<semaphore_mem>>)
    %dma_start3A_8 = arith.constant 0 : i32
    %dma_start3A_9 = arith.constant 0 : i32
    %dma_start3A_10 = tpu.memref_slice %arg5[%dma_start3A_8, %dma_start3A_9] : memref<100000x128xf32, #tpu.memory_space<hbm>> -> memref<100000x128xf32, #tpu.memory_space<hbm>>
    tpu.enqueue_indirect_dma source(%dma_start3A_10 : memref<100000x128xf32, #tpu.memory_space<hbm>>) target(%arg12 : memref<2x128xf32, #tpu.memory_space<vmem>>) offsets(%arg8 : memref<2xi32, #tpu.memory_space<vmem>>) semaphore(%arg15 : memref<!tpu.dma_semaphore, #tpu.memory_space<semaphore_mem>>)
    %dma_wait3A = arith.constant 0 : i32
    %dma_wait3A_11 = arith.constant 0 : i32
    %dma_wait3A_12 = tpu.memref_slice %arg4[%dma_wait3A, %dma_wait3A_11] : memref<100000x128xf32, #tpu.memory_space<hbm>> -> memref<100000x128xf32, #tpu.memory_space<hbm>>
    tpu.wait_indirect_dma semaphore(%arg15 : memref<!tpu.dma_semaphore, #tpu.memory_space<semaphore_mem>>) src(%dma_wait3A_12 : memref<100000x128xf32, #tpu.memory_space<hbm>>) dst(%arg9 : memref<2x128xf32, #tpu.memory_space<vmem>>)
    %dma_wait3A_13 = arith.constant 0 : i32
    %dma_wait3A_14 = arith.constant 0 : i32
    %dma_wait3A_15 = tpu.memref_slice %arg5[%dma_wait3A_13, %dma_wait3A_14] : memref<100000x128xf32, #tpu.memory_space<hbm>> -> memref<100000x128xf32, #tpu.memory_space<hbm>>
    tpu.wait_indirect_dma semaphore(%arg15 : memref<!tpu.dma_semaphore, #tpu.memory_space<semaphore_mem>>) src(%dma_wait3A_15 : memref<100000x128xf32, #tpu.memory_space<hbm>>) dst(%arg10 : memref<2x128xf32, #tpu.memory_space<vmem>>)
    %dma_wait3A_16 = arith.constant 0 : i32
    %dma_wait3A_17 = arith.constant 0 : i32
    %dma_wait3A_18 = tpu.memref_slice %arg4[%dma_wait3A_16, %dma_wait3A_17] : memref<100000x128xf32, #tpu.memory_space<hbm>> -> memref<100000x128xf32, #tpu.memory_space<hbm>>
    tpu.wait_indirect_dma semaphore(%arg15 : memref<!tpu.dma_semaphore, #tpu.memory_space<semaphore_mem>>) src(%dma_wait3A_18 : memref<100000x128xf32, #tpu.memory_space<hbm>>) dst(%arg11 : memref<2x128xf32, #tpu.memory_space<vmem>>)
    %dma_wait3A_19 = arith.constant 0 : i32
    %dma_wait3A_20 = arith.constant 0 : i32
    %dma_wait3A_21 = tpu.memref_slice %arg5[%dma_wait3A_19, %dma_wait3A_20] : memref<100000x128xf32, #tpu.memory_space<hbm>> -> memref<100000x128xf32, #tpu.memory_space<hbm>>
    tpu.wait_indirect_dma semaphore(%arg15 : memref<!tpu.dma_semaphore, #tpu.memory_space<semaphore_mem>>) src(%dma_wait3A_21 : memref<100000x128xf32, #tpu.memory_space<hbm>>) dst(%arg12 : memref<2x128xf32, #tpu.memory_space<vmem>>)
    %broadcast_in_dim3A = arith.constant 0.000000e+00 : f32
    %broadcast_in_dim3A_22 = vector.broadcast %broadcast_in_dim3A : f32 to vector<16xf32>
    %broadcast_in_dim3A_23 = arith.constant 0.000000e+00 : f32
    %broadcast_in_dim3A_24 = vector.broadcast %broadcast_in_dim3A_23 : f32 to vector<16xf32>
    %get3A = arith.constant 0 : i32
    %get3A_25 = arith.index_cast %get3A : i32 to index
    %get3A_26 = arith.constant 0 : index
    %get3A_27 = tpu.vector_load %arg9[%get3A_25, %get3A_26] {strides = array<i32>} : memref<2x128xf32, #tpu.memory_space<vmem>>, vector<1x16xf32>,
    %get3A_28 = vector.shape_cast %get3A_27 : vector<1x16xf32> to vector<16xf32>
    %get3A_29 = arith.constant 1 : i32
    %get3A_30 = arith.index_cast %get3A_29 : i32 to index
    %get3A_31 = arith.constant 0 : index
    %get3A_32 = tpu.vector_load %arg10[%get3A_30, %get3A_31] {strides = array<i32>} : memref<2x128xf32, #tpu.memory_space<vmem>>, vector<1x16xf32>,
    %get3A_33 = vector.shape_cast %get3A_32 : vector<1x16xf32> to vector<16xf32>
    %mul3A = arith.mulf %get3A_28, %get3A_33 : vector<16xf32>
    %add3A = arith.addf %broadcast_in_dim3A_22, %mul3A : vector<16xf32>
    %get3A_34 = arith.constant 0 : i32
    %get3A_35 = arith.index_cast %get3A_34 : i32 to index
    %get3A_36 = arith.constant 0 : index
    %get3A_37 = tpu.vector_load %arg11[%get3A_35, %get3A_36] {strides = array<i32>} : memref<2x128xf32, #tpu.memory_space<vmem>>, vector<1x16xf32>,
    %get3A_38 = vector.shape_cast %get3A_37 : vector<1x16xf32> to vector<16xf32>
    %get3A_39 = arith.constant 1 : i32
    %get3A_40 = arith.index_cast %get3A_39 : i32 to index
    %get3A_41 = arith.constant 0 : index
    %get3A_42 = tpu.vector_load %arg12[%get3A_40, %get3A_41] {strides = array<i32>} : memref<2x128xf32, #tpu.memory_space<vmem>>, vector<1x16xf32>,
    %get3A_43 = vector.shape_cast %get3A_42 : vector<1x16xf32> to vector<16xf32>
    %mul3A_44 = arith.mulf %get3A_38, %get3A_43 : vector<16xf32>
    %add3A_45 = arith.addf %broadcast_in_dim3A_24, %mul3A_44 : vector<16xf32>
    %get3A_46 = arith.constant 0 : i32
    %get3A_47 = arith.index_cast %get3A_46 : i32 to index
    %get3A_48 = arith.constant 16 : index
    %get3A_49 = tpu.vector_load %arg9[%get3A_47, %get3A_48] {strides = array<i32>} : memref<2x128xf32, #tpu.memory_space<vmem>>, vector<1x16xf32>,
    %get3A_50 = vector.shape_cast %get3A_49 : vector<1x16xf32> to vector<16xf32>
    %get3A_51 = arith.constant 1 : i32
    %get3A_52 = arith.index_cast %get3A_51 : i32 to index
    %get3A_53 = arith.constant 16 : index
    %get3A_54 = tpu.vector_load %arg10[%get3A_52, %get3A_53] {strides = array<i32>} : memref<2x128xf32, #tpu.memory_space<vmem>>, vector<1x16xf32>,
    %get3A_55 = vector.shape_cast %get3A_54 : vector<1x16xf32> to vector<16xf32>
    %mul3A_56 = arith.mulf %get3A_50, %get3A_55 : vector<16xf32>
    %add3A_57 = arith.addf %add3A, %mul3A_56 : vector<16xf32>
    %get3A_58 = arith.constant 0 : i32
    %get3A_59 = arith.index_cast %get3A_58 : i32 to index
    %get3A_60 = arith.constant 16 : index
    %get3A_61 = tpu.vector_load %arg11[%get3A_59, %get3A_60] {strides = array<i32>} : memref<2x128xf32, #tpu.memory_space<vmem>>, vector<1x16xf32>,
    %get3A_62 = vector.shape_cast %get3A_61 : vector<1x16xf32> to vector<16xf32>
    %get3A_63 = arith.constant 1 : i32
    %get3A_64 = arith.index_cast %get3A_63 : i32 to index
    %get3A_65 = arith.constant 16 : index
    %get3A_66 = tpu.vector_load %arg12[%get3A_64, %get3A_65] {strides = array<i32>} : memref<2x128xf32, #tpu.memory_space<vmem>>, vector<1x16xf32>,
    %get3A_67 = vector.shape_cast %get3A_66 : vector<1x16xf32> to vector<16xf32>
    %mul3A_68 = arith.mulf %get3A_62, %get3A_67 : vector<16xf32>
    %add3A_69 = arith.addf %add3A_45, %mul3A_68 : vector<16xf32>
    %get3A_70 = arith.constant 0 : i32
    %get3A_71 = arith.index_cast %get3A_70 : i32 to index
    %get3A_72 = arith.constant 32 : index
    %get3A_73 = tpu.vector_load %arg9[%get3A_71, %get3A_72] {strides = array<i32>} : memref<2x128xf32, #tpu.memory_space<vmem>>, vector<1x16xf32>,
    %get3A_74 = vector.shape_cast %get3A_73 : vector<1x16xf32> to vector<16xf32>
    %get3A_75 = arith.constant 1 : i32
    %get3A_76 = arith.index_cast %get3A_75 : i32 to index
    %get3A_77 = arith.constant 32 : index
    %get3A_78 = tpu.vector_load %arg10[%get3A_76, %get3A_77] {strides = array<i32>} : memref<2x128xf32, #tpu.memory_space<vmem>>, vector<1x16xf32>,
    %get3A_79 = vector.shape_cast %get3A_78 : vector<1x16xf32> to vector<16xf32>
    %mul3A_80 = arith.mulf %get3A_74, %get3A_79 : vector<16xf32>
    %add3A_81 = arith.addf %add3A_57, %mul3A_80 : vector<16xf32>
    %get3A_82 = arith.constant 0 : i32
    %get3A_83 = arith.index_cast %get3A_82 : i32 to index
    %get3A_84 = arith.constant 32 : index
    %get3A_85 = tpu.vector_load %arg11[%get3A_83, %get3A_84] {strides = array<i32>} : memref<2x128xf32, #tpu.memory_space<vmem>>, vector<1x16xf32>,
    %get3A_86 = vector.shape_cast %get3A_85 : vector<1x16xf32> to vector<16xf32>
    %get3A_87 = arith.constant 1 : i32
    %get3A_88 = arith.index_cast %get3A_87 : i32 to index
    %get3A_89 = arith.constant 32 : index
    %get3A_90 = tpu.vector_load %arg12[%get3A_88, %get3A_89] {strides = array<i32>} : memref<2x128xf32, #tpu.memory_space<vmem>>, vector<1x16xf32>,
    %get3A_91 = vector.shape_cast %get3A_90 : vector<1x16xf32> to vector<16xf32>
    %mul3A_92 = arith.mulf %get3A_86, %get3A_91 : vector<16xf32>
    %add3A_93 = arith.addf %add3A_69, %mul3A_92 : vector<16xf32>
    %get3A_94 = arith.constant 0 : i32
    %get3A_95 = arith.index_cast %get3A_94 : i32 to index
    %get3A_96 = arith.constant 48 : index
    %get3A_97 = tpu.vector_load %arg9[%get3A_95, %get3A_96] {strides = array<i32>} : memref<2x128xf32, #tpu.memory_space<vmem>>, vector<1x16xf32>,
    %get3A_98 = vector.shape_cast %get3A_97 : vector<1x16xf32> to vector<16xf32>
    %get3A_99 = arith.constant 1 : i32
    %get3A_100 = arith.index_cast %get3A_99 : i32 to index
    %get3A_101 = arith.constant 48 : index
    %get3A_102 = tpu.vector_load %arg10[%get3A_100, %get3A_101] {strides = array<i32>} : memref<2x128xf32, #tpu.memory_space<vmem>>, vector<1x16xf32>,
    %get3A_103 = vector.shape_cast %get3A_102 : vector<1x16xf32> to vector<16xf32>
    %mul3A_104 = arith.mulf %get3A_98, %get3A_103 : vector<16xf32>
    %add3A_105 = arith.addf %add3A_81, %mul3A_104 : vector<16xf32>
    %get3A_106 = arith.constant 0 : i32
    %get3A_107 = arith.index_cast %get3A_106 : i32 to index
    %get3A_108 = arith.constant 48 : index
    %get3A_109 = tpu.vector_load %arg11[%get3A_107, %get3A_108] {strides = array<i32>} : memref<2x128xf32, #tpu.memory_space<vmem>>, vector<1x16xf32>,
    %get3A_110 = vector.shape_cast %get3A_109 : vector<1x16xf32> to vector<16xf32>
    %get3A_111 = arith.constant 1 : i32
    %get3A_112 = arith.index_cast %get3A_111 : i32 to index
    %get3A_113 = arith.constant 48 : index
    %get3A_114 = tpu.vector_load %arg12[%get3A_112, %get3A_113] {strides = array<i32>} : memref<2x128xf32, #tpu.memory_space<vmem>>, vector<1x16xf32>,
    %get3A_115 = vector.shape_cast %get3A_114 : vector<1x16xf32> to vector<16xf32>
    %mul3A_116 = arith.mulf %get3A_110, %get3A_115 : vector<16xf32>
    %add3A_117 = arith.addf %add3A_93, %mul3A_116 : vector<16xf32>
    %get3A_118 = arith.constant 0 : i32
    %get3A_119 = arith.index_cast %get3A_118 : i32 to index
    %get3A_120 = arith.constant 64 : index
    %get3A_121 = tpu.vector_load %arg9[%get3A_119, %get3A_120] {strides = array<i32>} : memref<2x128xf32, #tpu.memory_space<vmem>>, vector<1x16xf32>,
    %get3A_122 = vector.shape_cast %get3A_121 : vector<1x16xf32> to vector<16xf32>
    %get3A_123 = arith.constant 1 : i32
    %get3A_124 = arith.index_cast %get3A_123 : i32 to index
    %get3A_125 = arith.constant 64 : index
    %get3A_126 = tpu.vector_load %arg10[%get3A_124, %get3A_125] {strides = array<i32>} : memref<2x128xf32, #tpu.memory_space<vmem>>, vector<1x16xf32>,
    %get3A_127 = vector.shape_cast %get3A_126 : vector<1x16xf32> to vector<16xf32>
    %mul3A_128 = arith.mulf %get3A_122, %get3A_127 : vector<16xf32>
    %add3A_129 = arith.addf %add3A_105, %mul3A_128 : vector<16xf32>
    %get3A_130 = arith.constant 0 : i32
    %get3A_131 = arith.index_cast %get3A_130 : i32 to index
    %get3A_132 = arith.constant 64 : index
    %get3A_133 = tpu.vector_load %arg11[%get3A_131, %get3A_132] {strides = array<i32>} : memref<2x128xf32, #tpu.memory_space<vmem>>, vector<1x16xf32>,
    %get3A_134 = vector.shape_cast %get3A_133 : vector<1x16xf32> to vector<16xf32>
    %get3A_135 = arith.constant 1 : i32
    %get3A_136 = arith.index_cast %get3A_135 : i32 to index
    %get3A_137 = arith.constant 64 : index
    %get3A_138 = tpu.vector_load %arg12[%get3A_136, %get3A_137] {strides = array<i32>} : memref<2x128xf32, #tpu.memory_space<vmem>>, vector<1x16xf32>,
    %get3A_139 = vector.shape_cast %get3A_138 : vector<1x16xf32> to vector<16xf32>
    %mul3A_140 = arith.mulf %get3A_134, %get3A_139 : vector<16xf32>
    %add3A_141 = arith.addf %add3A_117, %mul3A_140 : vector<16xf32>
    %get3A_142 = arith.constant 0 : i32
    %get3A_143 = arith.index_cast %get3A_142 : i32 to index
    %get3A_144 = arith.constant 80 : index
    %get3A_145 = tpu.vector_load %arg9[%get3A_143, %get3A_144] {strides = array<i32>} : memref<2x128xf32, #tpu.memory_space<vmem>>, vector<1x16xf32>,
    %get3A_146 = vector.shape_cast %get3A_145 : vector<1x16xf32> to vector<16xf32>
    %get3A_147 = arith.constant 1 : i32
    %get3A_148 = arith.index_cast %get3A_147 : i32 to index
    %get3A_149 = arith.constant 80 : index
    %get3A_150 = tpu.vector_load %arg10[%get3A_148, %get3A_149] {strides = array<i32>} : memref<2x128xf32, #tpu.memory_space<vmem>>, vector<1x16xf32>,
    %get3A_151 = vector.shape_cast %get3A_150 : vector<1x16xf32> to vector<16xf32>
    %mul3A_152 = arith.mulf %get3A_146, %get3A_151 : vector<16xf32>
    %add3A_153 = arith.addf %add3A_129, %mul3A_152 : vector<16xf32>
    %get3A_154 = arith.constant 0 : i32
    %get3A_155 = arith.index_cast %get3A_154 : i32 to index
    %get3A_156 = arith.constant 80 : index
    %get3A_157 = tpu.vector_load %arg11[%get3A_155, %get3A_156] {strides = array<i32>} : memref<2x128xf32, #tpu.memory_space<vmem>>, vector<1x16xf32>,
    %get3A_158 = vector.shape_cast %get3A_157 : vector<1x16xf32> to vector<16xf32>
    %get3A_159 = arith.constant 1 : i32
    %get3A_160 = arith.index_cast %get3A_159 : i32 to index
    %get3A_161 = arith.constant 80 : index
    %get3A_162 = tpu.vector_load %arg12[%get3A_160, %get3A_161] {strides = array<i32>} : memref<2x128xf32, #tpu.memory_space<vmem>>, vector<1x16xf32>,
    %get3A_163 = vector.shape_cast %get3A_162 : vector<1x16xf32> to vector<16xf32>
    %mul3A_164 = arith.mulf %get3A_158, %get3A_163 : vector<16xf32>
    %add3A_165 = arith.addf %add3A_141, %mul3A_164 : vector<16xf32>
    %get3A_166 = arith.constant 0 : i32
    %get3A_167 = arith.index_cast %get3A_166 : i32 to index
    %get3A_168 = arith.constant 96 : index
    %get3A_169 = tpu.vector_load %arg9[%get3A_167, %get3A_168] {strides = array<i32>} : memref<2x128xf32, #tpu.memory_space<vmem>>, vector<1x16xf32>,
    %get3A_170 = vector.shape_cast %get3A_169 : vector<1x16xf32> to vector<16xf32>
    %get3A_171 = arith.constant 1 : i32
    %get3A_172 = arith.index_cast %get3A_171 : i32 to index
    %get3A_173 = arith.constant 96 : index
    %get3A_174 = tpu.vector_load %arg10[%get3A_172, %get3A_173] {strides = array<i32>} : memref<2x128xf32, #tpu.memory_space<vmem>>, vector<1x16xf32>,
    %get3A_175 = vector.shape_cast %get3A_174 : vector<1x16xf32> to vector<16xf32>
    %mul3A_176 = arith.mulf %get3A_170, %get3A_175 : vector<16xf32>
    %add3A_177 = arith.addf %add3A_153, %mul3A_176 : vector<16xf32>
    %get3A_178 = arith.constant 0 : i32
    %get3A_179 = arith.index_cast %get3A_178 : i32 to index
    %get3A_180 = arith.constant 96 : index
    %get3A_181 = tpu.vector_load %arg11[%get3A_179, %get3A_180] {strides = array<i32>} : memref<2x128xf32, #tpu.memory_space<vmem>>, vector<1x16xf32>,
    %get3A_182 = vector.shape_cast %get3A_181 : vector<1x16xf32> to vector<16xf32>
    %get3A_183 = arith.constant 1 : i32
    %get3A_184 = arith.index_cast %get3A_183 : i32 to index
    %get3A_185 = arith.constant 96 : index
    %get3A_186 = tpu.vector_load %arg12[%get3A_184, %get3A_185] {strides = array<i32>} : memref<2x128xf32, #tpu.memory_space<vmem>>, vector<1x16xf32>,
    %get3A_187 = vector.shape_cast %get3A_186 : vector<1x16xf32> to vector<16xf32>
    %mul3A_188 = arith.mulf %get3A_182, %get3A_187 : vector<16xf32>
    %add3A_189 = arith.addf %add3A_165, %mul3A_188 : vector<16xf32>
    %get3A_190 = arith.constant 0 : i32
    %get3A_191 = arith.index_cast %get3A_190 : i32 to index
    %get3A_192 = arith.constant 112 : index
    %get3A_193 = tpu.vector_load %arg9[%get3A_191, %get3A_192] {strides = array<i32>} : memref<2x128xf32, #tpu.memory_space<vmem>>, vector<1x16xf32>,
    %get3A_194 = vector.shape_cast %get3A_193 : vector<1x16xf32> to vector<16xf32>
    %get3A_195 = arith.constant 1 : i32
    %get3A_196 = arith.index_cast %get3A_195 : i32 to index
    %get3A_197 = arith.constant 112 : index
    %get3A_198 = tpu.vector_load %arg10[%get3A_196, %get3A_197] {strides = array<i32>} : memref<2x128xf32, #tpu.memory_space<vmem>>, vector<1x16xf32>,
    %get3A_199 = vector.shape_cast %get3A_198 : vector<1x16xf32> to vector<16xf32>
    %mul3A_200 = arith.mulf %get3A_194, %get3A_199 : vector<16xf32>
    %add3A_201 = arith.addf %add3A_177, %mul3A_200 : vector<16xf32>
    %get3A_202 = arith.constant 0 : i32
    %get3A_203 = arith.index_cast %get3A_202 : i32 to index
    %get3A_204 = arith.constant 112 : index
    %get3A_205 = tpu.vector_load %arg11[%get3A_203, %get3A_204] {strides = array<i32>} : memref<2x128xf32, #tpu.memory_space<vmem>>, vector<1x16xf32>,
    %get3A_206 = vector.shape_cast %get3A_205 : vector<1x16xf32> to vector<16xf32>
    %get3A_207 = arith.constant 1 : i32
    %get3A_208 = arith.index_cast %get3A_207 : i32 to index
    %get3A_209 = arith.constant 112 : index
    %get3A_210 = tpu.vector_load %arg12[%get3A_208, %get3A_209] {strides = array<i32>} : memref<2x128xf32, #tpu.memory_space<vmem>>, vector<1x16xf32>,
    %get3A_211 = vector.shape_cast %get3A_210 : vector<1x16xf32> to vector<16xf32>
    %mul3A_212 = arith.mulf %get3A_206, %get3A_211 : vector<16xf32>
    %add3A_213 = arith.addf %add3A_189, %mul3A_212 : vector<16xf32>
    %iota3A = tpu.iota {dimensions = array<i32: 0>} : vector<16xi32>
    %add3A_214 = arith.constant 8 : i32
    %add3A_215 = vector.broadcast %add3A_214 : i32 to vector<16xi32>
    %add3A_216 = arith.addi %iota3A, %add3A_215 : vector<16xi32>
    %and3A = arith.constant 15 : i32
    %and3A_217 = vector.broadcast %and3A : i32 to vector<16xi32>
    %and3A_218 = arith.andi %add3A_216, %and3A_217 : vector<16xi32>
    %broadcast_in_dim3A_219 = vector.shape_cast %and3A_218 : vector<16xi32> to vector<16x1xi32>
    %gather3A = vector.shape_cast %broadcast_in_dim3A_219 : vector<16x1xi32> to vector<16xi32>
    %gather3A_220 = tpu.dynamic_gather %add3A_201[%gather3A] in [0] : vector<16xf32>, vector<16xi32> -> vector<16xf32>
    %add3A_221 = arith.addf %add3A_201, %gather3A_220 : vector<16xf32>
    %broadcast_in_dim3A_222 = vector.shape_cast %and3A_218 : vector<16xi32> to vector<16x1xi32>
    %gather3A_223 = vector.shape_cast %broadcast_in_dim3A_222 : vector<16x1xi32> to vector<16xi32>
    %gather3A_224 = tpu.dynamic_gather %add3A_213[%gather3A_223] in [0] : vector<16xf32>, vector<16xi32> -> vector<16xf32>
    %add3A_225 = arith.addf %add3A_213, %gather3A_224 : vector<16xf32>
    %lt3A = arith.constant 8 : i32
    %lt3A_226 = vector.broadcast %lt3A : i32 to vector<16xi32>
    %lt3A_227 = arith.cmpi slt, %iota3A, %lt3A_226 : vector<16xi32>
    %select_n3A = arith.select %lt3A_227, %add3A_221, %add3A_225 : vector<16xi1>, vector<16xf32>
    %and3A_228 = arith.constant 8 : i32
    %and3A_229 = vector.broadcast %and3A_228 : i32 to vector<16xi32>
    %and3A_230 = arith.andi %iota3A, %and3A_229 : vector<16xi32>
    %add3A_231 = arith.constant 4 : i32
    %add3A_232 = vector.broadcast %add3A_231 : i32 to vector<16xi32>
    %add3A_233 = arith.addi %iota3A, %add3A_232 : vector<16xi32>
    %and3A_234 = arith.constant 7 : i32
    %and3A_235 = vector.broadcast %and3A_234 : i32 to vector<16xi32>
    %and3A_236 = arith.andi %add3A_233, %and3A_235 : vector<16xi32>
    %or3A = arith.ori %and3A_230, %and3A_236 : vector<16xi32>
    %broadcast_in_dim3A_237 = vector.shape_cast %or3A : vector<16xi32> to vector<16x1xi32>
    %gather3A_238 = vector.shape_cast %broadcast_in_dim3A_237 : vector<16x1xi32> to vector<16xi32>
    %gather3A_239 = tpu.dynamic_gather %select_n3A[%gather3A_238] in [0] : vector<16xf32>, vector<16xi32> -> vector<16xf32>
    %add3A_240 = arith.addf %select_n3A, %gather3A_239 : vector<16xf32>
    %add3A_241 = arith.constant 2 : i32
    %add3A_242 = vector.broadcast %add3A_241 : i32 to vector<16xi32>
    %add3A_243 = arith.addi %iota3A, %add3A_242 : vector<16xi32>
    %and3A_244 = arith.constant 7 : i32
    %and3A_245 = vector.broadcast %and3A_244 : i32 to vector<16xi32>
    %and3A_246 = arith.andi %add3A_243, %and3A_245 : vector<16xi32>
    %or3A_247 = arith.ori %and3A_230, %and3A_246 : vector<16xi32>
    %broadcast_in_dim3A_248 = vector.shape_cast %or3A_247 : vector<16xi32> to vector<16x1xi32>
    %gather3A_249 = vector.shape_cast %broadcast_in_dim3A_248 : vector<16x1xi32> to vector<16xi32>
    %gather3A_250 = tpu.dynamic_gather %add3A_240[%gather3A_249] in [0] : vector<16xf32>, vector<16xi32> -> vector<16xf32>
    %add3A_251 = arith.addf %add3A_240, %gather3A_250 : vector<16xf32>
    %add3A_252 = arith.constant 1 : i32
    %add3A_253 = vector.broadcast %add3A_252 : i32 to vector<16xi32>
    %add3A_254 = arith.addi %iota3A, %add3A_253 : vector<16xi32>
    %and3A_255 = arith.constant 7 : i32
    %and3A_256 = vector.broadcast %and3A_255 : i32 to vector<16xi32>
    %and3A_257 = arith.andi %add3A_254, %and3A_256 : vector<16xi32>
    %or3A_258 = arith.ori %and3A_230, %and3A_257 : vector<16xi32>
    %broadcast_in_dim3A_259 = vector.shape_cast %or3A_258 : vector<16xi32> to vector<16x1xi32>
    %gather3A_260 = vector.shape_cast %broadcast_in_dim3A_259 : vector<16x1xi32> to vector<16xi32>
    %gather3A_261 = tpu.dynamic_gather %add3A_251[%gather3A_260] in [0] : vector<16xf32>, vector<16xi32> -> vector<16xf32>
    %add3A_262 = arith.addf %add3A_251, %gather3A_261 : vector<16xf32>
    %lt3A_263 = arith.constant 8 : i32
    %lt3A_264 = vector.broadcast %lt3A_263 : i32 to vector<16xi32>
    %lt3A_265 = arith.cmpi slt, %iota3A, %lt3A_264 : vector<16xi32>
    %neg3A = arith.constant 0.000000e+00 : f32
    %neg3A_266 = vector.broadcast %neg3A : f32 to vector<16xf32>
    %neg3A_267 = arith.subf %neg3A_266, %add3A_262 : vector<16xf32>
    %select_n3A_268 = arith.select %lt3A_265, %add3A_262, %neg3A_267 : vector<16xi1>, vector<16xf32>
    %abs3A = math.absf %select_n3A_268 : vector<16xf32>
    %neg3A_269 = arith.constant 0.000000e+00 : f32
    %neg3A_270 = vector.broadcast %neg3A_269 : f32 to vector<16xf32>
    %neg3A_271 = arith.subf %neg3A_270, %abs3A : vector<16xf32>
    %exp3A = math.exp %neg3A_271 : vector<16xf32>
    %add3A_272 = arith.constant 1.000000e+00 : f32
    %add3A_273 = vector.broadcast %add3A_272 : f32 to vector<16xf32>
    %add3A_274 = arith.addf %add3A_273, %exp3A : vector<16xf32>
    %mul3A_275 = arith.constant 2.000000e+00 : f32
    %mul3A_276 = vector.broadcast %mul3A_275 : f32 to vector<16xf32>
    %mul3A_277 = arith.mulf %mul3A_276, %exp3A : vector<16xf32>
    %add3A_278 = arith.constant 2.000000e+00 : f32
    %add3A_279 = vector.broadcast %add3A_278 : f32 to vector<16xf32>
    %add3A_280 = arith.addf %add3A_279, %exp3A : vector<16xf32>
    %div3A = arith.divf %mul3A_277, %add3A_280 : vector<16xf32>
    %neg3A_281 = arith.constant 0.000000e+00 : f32
    %neg3A_282 = vector.broadcast %neg3A_281 : f32 to vector<16xf32>
    %neg3A_283 = arith.subf %neg3A_282, %div3A : vector<16xf32>
    %exp3A_284 = math.exp %neg3A_283 : vector<16xf32>
    %mul3A_285 = arith.mulf %add3A_274, %exp3A_284 : vector<16xf32>
    %add3A_286 = arith.addf %div3A, %mul3A_285 : vector<16xf32>
    %sub3A = arith.constant 1.000000e+00 : f32
    %sub3A_287 = vector.broadcast %sub3A : f32 to vector<16xf32>
    %sub3A_288 = arith.subf %add3A_286, %sub3A_287 : vector<16xf32>
    %neg3A_289 = arith.constant 0.000000e+00 : f32
    %neg3A_290 = vector.broadcast %neg3A_289 : f32 to vector<16xf32>
    %neg3A_291 = arith.subf %neg3A_290, %sub3A_288 : vector<16xf32>
    %exp3A_292 = math.exp %neg3A_291 : vector<16xf32>
    %mul3A_293 = arith.mulf %add3A_274, %exp3A_292 : vector<16xf32>
    %add3A_294 = arith.addf %sub3A_288, %mul3A_293 : vector<16xf32>
    %sub3A_295 = arith.constant 1.000000e+00 : f32
    %sub3A_296 = vector.broadcast %sub3A_295 : f32 to vector<16xf32>
    %sub3A_297 = arith.subf %add3A_294, %sub3A_296 : vector<16xf32>
    %neg3A_298 = arith.constant 0.000000e+00 : f32
    %neg3A_299 = vector.broadcast %neg3A_298 : f32 to vector<16xf32>
    %neg3A_300 = arith.subf %neg3A_299, %sub3A_297 : vector<16xf32>
    %exp3A_301 = math.exp %neg3A_300 : vector<16xf32>
    %mul3A_302 = arith.mulf %add3A_274, %exp3A_301 : vector<16xf32>
    %add3A_303 = arith.addf %sub3A_297, %mul3A_302 : vector<16xf32>
    %sub3A_304 = arith.constant 1.000000e+00 : f32
    %sub3A_305 = vector.broadcast %sub3A_304 : f32 to vector<16xf32>
    %sub3A_306 = arith.subf %add3A_303, %sub3A_305 : vector<16xf32>
    %neg3A_307 = arith.constant 0.000000e+00 : f32
    %neg3A_308 = vector.broadcast %neg3A_307 : f32 to vector<16xf32>
    %neg3A_309 = arith.subf %neg3A_308, %select_n3A_268 : vector<16xf32>
    %max3A = arith.constant 0.000000e+00 : f32
    %max3A_310 = vector.broadcast %max3A : f32 to vector<16xf32>
    %max3A_311 = arith.maximumf %neg3A_309, %max3A_310 : vector<16xf32>
    %add3A_312 = arith.addf %max3A_311, %sub3A_306 : vector<16xf32>
    %broadcast_in_dim3A_313 = vector.shape_cast %and3A_218 : vector<16xi32> to vector<16x1xi32>
    %gather3A_314 = vector.shape_cast %broadcast_in_dim3A_313 : vector<16x1xi32> to vector<16xi32>
    %gather3A_315 = tpu.dynamic_gather %add3A_312[%gather3A_314] in [0] : vector<16xf32>, vector<16xi32> -> vector<16xf32>
    %add3A_316 = arith.addf %add3A_312, %gather3A_315 : vector<16xf32>
    %swap3A = arith.constant 0 : index
    %swap3A_317 = tpu.vector_load %arg13[%swap3A] {strides = array<i32>} : memref<16xf32, #tpu.memory_space<vmem>>, vector<16xf32>,
    %swap3A_318 = vector.shape_cast %swap3A_317 : vector<16xf32> to vector<16xf32>
    %swap3A_319 = vector.shape_cast %add3A_316 : vector<16xf32> to vector<16xf32>
    tpu.vector_store %arg13[%swap3A], %swap3A_319 {strides = array<i32>} : memref<16xf32, #tpu.memory_space<vmem>>, vector<16xf32>,
    "tpu.region"() ({
      %run_scoped3A = tpu.sem_alloc : memref<!tpu.dma_semaphore, #tpu.memory_space<semaphore_mem>>
      %dma_start3A_320 = arith.constant 0 : i32
      %dma_start3A_321 = tpu.memref_slice %arg13[%dma_start3A_320] : memref<16xf32, #tpu.memory_space<vmem>> -> memref<1xf32, #tpu.memory_space<vmem>>
      %dma_start3A_322 = arith.constant 0 : i32
      %dma_start3A_323 = tpu.memref_slice %arg13[%dma_start3A_322] : memref<16xf32, #tpu.memory_space<vmem>> -> memref<1xf32, #tpu.memory_space<vmem>>
      tpu.enqueue_dma source(%dma_start3A_323 : memref<1xf32, #tpu.memory_space<vmem>>) target(%arg6 : memref<1xf32, #tpu.memory_space<hbm>>) target_semaphore(%run_scoped3A : memref<!tpu.dma_semaphore, #tpu.memory_space<semaphore_mem>>)
      %dma_wait3A_324 = arith.constant 0 : i32
      %dma_wait3A_325 = tpu.memref_slice %arg13[%dma_wait3A_324] : memref<16xf32, #tpu.memory_space<vmem>> -> memref<1xf32, #tpu.memory_space<vmem>>
      %dma_wait3A_326 = arith.constant 0 : i32
      %dma_wait3A_327 = tpu.memref_slice %arg13[%dma_wait3A_326] : memref<16xf32, #tpu.memory_space<vmem>> -> memref<1xf32, #tpu.memory_space<vmem>>
      tpu.wait_dma2 semaphore(%run_scoped3A : memref<!tpu.dma_semaphore, #tpu.memory_space<semaphore_mem>>) src(%dma_wait3A_327 : memref<1xf32, #tpu.memory_space<vmem>>) dst(%arg6 : memref<1xf32, #tpu.memory_space<hbm>>)
      tpu.yield
    }) : () -> ()
    return
  }
}

</mosaic_0001>

<sc_bundles>
// kernel: kernel.3.cloned.1.call-start
scs
__scs_entry_jumppad:
0x0: {  	(pc) =	sbr.rel $0x88, $3  }
0x1: {  	(tag) =	ssettag $0x0;
	lr =	simm.s32 $0x1  }
0x2: {  	[smem:$0x3F9D] =	sst lr;
	_ =	strace $0xD0000000  }
0x3: {  	_ = 	snop  }
0x4: {  	_ = 	snop  }
0x5: {  	_ = 	snop  }
0x6: {  	_ = 	snop  }
0x7: {  	_ = 	snop  }
__scs_overlays_trampoline_lowered:
0x8: {  	[smem:$0x3FAC] =	sst s0  }
0x9: {  	[smem:$0x3FAD] =	sst s1  }
0xa: {  	[smem:$0x3FAE] =	sst s2  }
0xb: {  	[smem:$0x3FAF] =	sst s3  }
0xc: {  	[smem:$0x3FB0] =	sst s4  }
0xd: {  	[smem:$0x3FB1] =	sst s5  }
0xe: {  	[smem:$0x3FB2] =	sst s6  }
0xf: {  	[smem:$0x3FB3] =	sst s7  }
0x10: {  	[smem:$0x3FB4] =	sst s8  }
0x11: {  	[smem:$0x3FB5] =	sst s9;
	s0 =	simm.s32 @!p0 $0x0  }
0x12: {  	s1 =	sld [smem:$0x3F9B];
	s0 =	simm.s32 @p0 $0x1  }
0x13: {  	[smem:$0x3FB6] =	sst s0;
	s0 =	simm.s32 @!p1 $0x0  }
0x14: {  	s2 =	sld [smem:$0x3F9A];
	s0 =	simm.s32 @p1 $0x1  }
0x15: {  	[smem:$0x3FB7] =	sst s0;
	s0 =	simm.s32 @!p2 $0x0  }
0x16: {  	s3 =	sld [smem:$0x3FDB];
	s0 =	simm.s32 @p2 $0x1  }
0x17: {  	s4 =	simm.s32 $0x1BF5;
	[smem:$0x3FB9] =	sst s0  }
0x18: {  	s0 =	sld [smem:$0x3F9C];
	_ =	swait.ge [sflag:s4], $0x0  }
0x19: {  	s7 =	sld [smem:$0x3F9D]  }
0x1a: {  	s8 =	sadd.s32 $0xFFFFE003, lr  }
0x1b: {  	s9 =	sadd.s32 $0xFFFFFEF7, lr;
	s5 =	simm.s32 $0xFFFFFFFF;
	p2 =	slt.u32 s8, $0xFFFFF086  }
0x1c: {  	p1 =	slt.u32 s9, $0xF7A;
	s5 =	simm.s32 @!p2 $0x0  }
0x1d: {  	s5 =	simm.s32 @p1 $0x1;
	p0 =	seq.s32 s7, s2  }
0x1e: {  	s7 =	smul.u32 @!p0 $0xF7A, s2;
	p2 =	seq.s32 @!p0 s5, $0x0  }
0x1f: {  	s9 =	smul.u32 $0xF7A, s1;
	s8 =	simm.s32 @!p0 $0x1BF5;
	p2 =	por !p2, p0  }
0x20: {  	[sflag:s8] =	ssyncset.s32 @!p0 $0xFFFFF086;
	s6 =	sadd.s32 @!p0 s3, s7;
	s7 =	simm.s32 @!p0 $0x108  }
0x21: {  	s3 =	sadd.s32 s3, s9;
	s6 =	sadd.s32 @!p0 $0x88, s6;
	s7 =	simm.s32 @p2 $0x1082  }
0x22: {  	[simem:s7], [sflag:s8] =	dma.local @!p0 [hbm:s6], $0xF7A  }
0x23: {  	s9 =	sor.u32 $0xD0000000, s2;
	s6 =	simm.s32 $0x108;
	_ =	swait.ge @!p0 [sflag:s8], $0x0  }
0x24: {  	s3 =	sadd.s32 $0x88, s3;
	s6 =	simm.s32 @!p1 $0x1082;
	[sflag:s4] =	ssyncset.s32 $0xFFFFF086  }
0x25: {  	[simem:s6], [sflag:s4] =	dma.local [hbm:s3], $0xF7A  }
0x26: {  	[smem:$0x3F9D] =	sst s1;
	(tag) =	ssettag s2;
	_ =	strace s9  }
0x27: {  	s1 =	sld [smem:$0x3FAD]  }
0x28: {  	s2 =	sld [smem:$0x3FAE]  }
0x29: {  	s4 =	sld [smem:$0x3FB0]  }
0x2a: {  	p0 =	seq.s32 s5, $0x0;
	s5 =	sld [smem:$0x3FB1]  }
0x2b: {  	s6 =	sld [smem:$0x3FB2]  }
0x2c: {  	s7 =	sld [smem:$0x3FB3]  }
0x2d: {  	s3 =	simm.s32 $0x108;
	s8 =	sld [smem:$0x3FB4]  }
0x2e: {  	s3 =	simm.s32 @!p0 $0x1082;
	s9 =	sld [smem:$0x3FB5]  }
0x2f: {  	lr =	sadd.s32 s0, s3;
	s0 =	sld [smem:$0x3FAC]  }
0x30: {  	s3 =	sld [smem:$0x3FAF]  }
0x31: {  	[smem:$0x3FB8] =	sst s10  }
0x32: {  	s10 =	sld [smem:$0x3FB6];
	_ =	sdelay $0x3  }
0x33: {  	p0 =	seq.s32 s10, $0x1;
	s10 =	sld [smem:$0x3FB8];
	_ =	sdelay $0x3  }
0x34: {  	[smem:$0x3FB8] =	sst s10  }
0x35: {  	s10 =	sld [smem:$0x3FB7];
	_ =	sdelay $0x3  }
0x36: {  	p1 =	seq.s32 s10, $0x1;
	s10 =	sld [smem:$0x3FB8];
	_ =	sdelay $0x3  }
0x37: {  	[smem:$0x3FB8] =	sst s10  }
0x38: {  	s10 =	sld [smem:$0x3FB9]  }
0x39: {  	_ = 	snop;
	(pc) =	sbr.ind lr, $3  }
0x3a: {  	_ = 	snop  }
0x3b: {  	_ = 	snop  }
0x3c: {  	p2 =	seq.s32 s10, $0x1;
	s10 =	sld [smem:$0x3FB8]  }
0x3d: {  	_ =	shalt  }
0x3e: {  	_ =	shalt  }
0x3f: {  	_ =	shalt  }
0x40: {  	_ =	shalt  }
0x41: {  	_ =	shalt  }
0x42: {  	_ =	shalt  }
0x43: {  	_ =	shalt  }
0x44: {  	_ =	shalt  }
0x45: {  	_ =	shalt  }
0x46: {  	_ =	shalt  }
0x47: {  	_ =	shalt  }
0x48: {  	_ =	shalt  }
0x49: {  	_ =	shalt  }
0x4a: {  	_ =	shalt  }
0x4b: {  	_ =	shalt  }
0x4c: {  	_ =	shalt  }
0x4d: {  	_ =	shalt  }
0x4e: {  	_ =	shalt  }
0x4f: {  	_ =	shalt  }
0x50: {  	_ =	shalt  }
0x51: {  	_ =	shalt  }
0x52: {  	_ =	shalt  }
0x53: {  	_ =	shalt  }
0x54: {  	_ =	shalt  }
0x55: {  	_ =	shalt  }
0x56: {  	_ =	shalt  }
0x57: {  	_ =	shalt  }
0x58: {  	_ =	shalt  }
0x59: {  	_ =	shalt  }
0x5a: {  	_ =	shalt  }
0x5b: {  	_ =	shalt  }
0x5c: {  	_ =	shalt  }
0x5d: {  	_ =	shalt  }
0x5e: {  	_ =	shalt  }
0x5f: {  	_ =	shalt  }
0x60: {  	_ =	shalt  }
0x61: {  	_ =	shalt  }
0x62: {  	_ =	shalt  }
0x63: {  	_ =	shalt  }
0x64: {  	_ =	shalt  }
0x65: {  	_ =	shalt  }
0x66: {  	_ =	shalt  }
0x67: {  	_ =	shalt  }
0x68: {  	_ =	shalt  }
0x69: {  	_ =	shalt  }
0x6a: {  	_ =	shalt  }
0x6b: {  	_ =	shalt  }
0x6c: {  	_ =	shalt  }
0x6d: {  	_ =	shalt  }
0x6e: {  	_ =	shalt  }
0x6f: {  	_ =	shalt  }
0x70: {  	_ =	shalt  }
0x71: {  	_ =	shalt  }
0x72: {  	_ =	shalt  }
0x73: {  	_ =	shalt  }
0x74: {  	_ =	shalt  }
0x75: {  	_ =	shalt  }
0x76: {  	_ =	shalt  }
0x77: {  	_ =	shalt  }
0x78: {  	_ =	shalt  }
0x79: {  	_ =	shalt  }
0x7a: {  	_ =	shalt  }
0x7b: {  	_ =	shalt  }
0x7c: {  	_ =	shalt  }
0x7d: {  	_ =	shalt  }
0x7e: {  	_ =	shalt  }
0x7f: {  	_ =	shalt  }
0x80: {  	_ =	shalt  }
0x81: {  	_ =	shalt  }
0x82: {  	_ =	shalt  }
0x83: {  	_ =	shalt  }
0x84: {  	_ =	shalt  }
0x85: {  	_ =	shalt  }
0x86: {  	_ =	shalt  }
0x87: {  	_ =	shalt  }
.Lfunc_end0:
.L_simem_size_0:
called_computation_lowered:
.L_overlay_start_0:
0x88: {  	s0 =	sld [smem:$0x3FD9]  }
0x89: {  	s1 =	sld [smem:$0x3FFE];
	_ =	sdelay $0x3  }
0x8a: {  	s0 =	sadd.s32 s1, s0  }
0x8b: {  	[smem:$0x3FC4] =	sst s0  }
0x8c: {  	_ = 	snop  }
0x8d: {  	s0 =	sld [smem:$0x3FC9]  }
0x8e: {  	s17 =	sld [smem:$0x3FC8]  }
0x8f: {  	s2 =	sld [smem:$0x3FC7]  }
0x90: {  	s3 =	sld [smem:$0x3FC6]  }
0x91: {  	s4 =	sld [smem:$0x3FD0];
	(tm) =	ssettm $0x1  }
0x92: {  	s5 =	sld [smem:$0x3FFB];
	_ =	sdelay $0x3  }
0x93: {  	_ =	strace s5  }
0x94: {  	s5 =	sld [smem:$0x3FFC];
	_ =	sdelay $0x3  }
0x95: {  	_ =	strace s5  }
0x96: {  	s5 =	sld [smem:$0x3FFD];
	_ =	sdelay $0x3  }
0x97: {  	_ =	strace s5  }
0x98: {  	_ =	strace $0x8FFFFFFF  }
0x99: {  	s18 =	sld [smem:$0x3FDB];
	_ =	sdelay $0x1  }
0x9a: {  	s6 =	simm.s32 $_scs_section_size  }
0x9b: {  	s7 =	simm.s32 $_size__tile_overlayer_lowered;
	s8 =	simm.s32 $_tile_overlayer_lowered  }
0x9c: {  	s21 =	simm.s32 $0x1BFF;
	s20 =	sshll.u32 s8, $0x1;
	s5 =	sadd.s32 s6, s18  }
0x9d: {  	s9 =	simm.s32 $0x0;
	s19 =	sshll.u32 s7, $0x1;
	s7 =	sadd.s32 s20, s5  }
0x9e: {  	[timem:s9], [sflag:s21] =	dma.local [hbm:s7], s19  }
0x9f: {  	_ =	swait.ge [sflag:s21], s19  }
0xa0: {  	s6 =	ssub.s32 $0x0, s19;
	[sflag:s21] =	ssyncset.done $0x0  }
0xa1: {  	[sflag:s21] =	ssyncadd.s32 s6;
	_ =	sdelay $0x1  }
0xa2: {  	s22 =	simm.s32 $0x1B8B  }
0xa3: {  	_ =	swait.ge [sflag:s22], $0x1  }
0xa4: {  	[sflag:s22] =	ssyncset.done $0x0  }
0xa5: {  	s23 =	simm.s32 $0x1B8E;
	[sflag:s22] =	ssyncadd.s32 $0xFFFFFFFF  }
0xa6: {  	s24 =	simm.s32 $execute0_lowered;
	[smem:$0x3FD2] =	sst s23  }
0xa7: {  	s6 =	sshll.u32 s24, $0x1;
	_ =	strace $0x80000046;
	[dreg:$0x1] =	wrdreg $0xFFFFFFFF  }
0xa8: {  	s25 =	simm.s32 $_size_execute0_lowered;
	s5 =	sadd.s32 s5, s6;
	[dreg:$0x0] =	wrdreg $0x0  }
0xa9: {  	s6 =	sshll.u32 s25, $0x1;
	[dreg:$0x2] =	wrdreg s5  }
0xaa: {  	[dreg:$0x3] =	wrdreg s6  }
0xab: {  	[dreg:$0x4] =	wrdreg $0xC0  }
0xac: {  	_ =	task [dreg:s9], $0x5FFFF  }
0xad: {  	[dreg:$0x1] =	wrdreg $0xFFFFFFFF  }
0xae: {  	[dreg:$0x0] =	wrdreg $0x60  }
0xaf: {  	[dreg:$0x2] =	wrdreg s0  }
0xb0: {  	[dreg:$0x3] =	wrdreg s17  }
0xb1: {  	[dreg:$0x4] =	wrdreg s2  }
0xb2: {  	[dreg:$0x5] =	wrdreg s3  }
0xb3: {  	[dreg:$0x6] =	wrdreg s4  }
0xb4: {  	[dreg:$0x7] =	wrdreg $0x9  }
0xb5: {  	_ =	task.clear_ibuf [dreg:s9], $0x8FFFF;
	_ =	strace $0x90000046  }
0xb6: {  	s26 =	simm.s32 $0x9;
	_ =	strace $0x80000048  }
0xb7: {  	_ =	swait.ge [sflag:s26], $0x1  }
0xb8: {  	[sflag:s26] =	ssyncadd.s32 $0xFFFFFFFF  }
0xb9: {  	_ =	strace $0x90000048  }
0xba: {  	_ =	sfence  }
0xbb: {  	s28 =	sld [smem:$0x0];
	_ =	sdelay $0x1  }
0xbc: {  	s29 =	srdreg.scid  }
0xbd: {  	s30 =	sshll.u32 s29, $0xD;
	s31 =	sshrl.u32 s29, $0x2  }
0xbe: {  	s1 =	sand.u32 $0x1, s29;
	s2 =	sand.u32 $0x4000, s30;
	s0 =	sadd.s32 s31, s28  }
0xbf: {  	s1 =	sor.u32 s2, s1;
	s0 =	sshll.u32 s0, $0x11  }
0xc0: {  	s0 =	sor.u32 s0, s1  }
0xc1: {  	s0 =	sadd.s32 $0x8F2B, s0  }
0xc2: {  	[sflag:s0] =	ssyncadd.remote.s32 $0x1  }
0xc3: {  	_ =	sfence.sel $0xFFFF  }
0xc4: {  	[dreg:$0x0] =	wrdreg $0xFFFFFFFF;
	(pc) =	sbr.abs _section_cstart, $3  }
0xc5: {  	[dreg:$0x1] =	wrdreg $0xFFFFFFFF  }
0xc6: {  	_ =	task.clear_ibuf [dreg:s9], $0x2FFFF;
	_ =	strace $0x9FFFFFFF  }
0xc7: {  	(tm) =	ssettm $0x7FFFFFFF  }
tec
execute0_lowered:
.L_overlay_start_1:
0x0: {  	(tag) =	ssettag $0x1  }
0x1: {  	s2 =	stileid.u32  }
0x2: {  	s6 =	rddreg [dreg:$0x0];
	p0 =	sne.s32 s2, $0x0  }
.Ltmp0:
0x3: {  	s5 =	rddreg [dreg:$0x1];
	(pc) =	sbr.rel @p0 .LBB2_2-.Ltmp0, $4  }
0x4: {  	s4 =	rddreg [dreg:$0x2]  }
0x5: {  	s3 =	rddreg [dreg:$0x3]  }
0x6: {  	s1 =	rddreg [dreg:$0x4]  }
0x7: {  	s0 =	rddreg [dreg:$0x5];
	_ =	strace $0x80000047  }
0x8: {  	s2 =	simm.s32 $0x0  }
0x9: {  	[tilespmem:s2], [sflag:$0x1] =	stream.linear.gather [hbm4b:s6+s2], $0x80, $0x38;
	[tilespmem:$0x580] =	vst v63  }
0xa: {  	s23 =	simm.s32 $0x80;
	s24 =	simm.s32 $0x1  }
0xb: {  	[tilespmem:s23], [sflag:$0x1] =	stream.linear.gather [hbm4b:s5+s2], $0x80, $0x38;
	[tilespmem:$0x580] =	vst v63  }
0xc: {  	_ =	swait.ge [sflag:s24], $0x80  }
0xd: {  	[sflag:s24] =	ssyncset.done $0x0  }
0xe: {  	[sflag:s24] =	ssyncadd.s32 $0xFFFFFF80  }
0xf: {  	_ =	swait.ge [sflag:s24], $0x80  }
0x10: {  	[sflag:s24] =	ssyncset.done $0x0  }
0x11: {  	s25 =	simm.s32 $0x2;
	s7 =	simm.s32 $0x100;
	[sflag:s24] =	ssyncadd.s32 $0xFFFFFF80  }
0x12: {  	[tilespmem:s7], [sflag:$0x2] =	stream.indirect.gather [hbm4b:s4+s25], $0x80, s2, s25, $0xb8;
	[tilespmem:$0x580] =	vst v63  }
0x13: {  	s26 =	simm.s32 $0x200  }
0x14: {  	[tilespmem:s26], [sflag:$0x2] =	stream.indirect.gather [hbm4b:s3+s25], $0x80, s2, s25, $0xb8;
	[tilespmem:$0x580] =	vst v63  }
0x15: {  	s28 =	simm.s32 $0x300  }
0x16: {  	[tilespmem:s28], [sflag:$0x2] =	stream.indirect.gather [hbm4b:s4+s25], $0x80, s23, s25, $0xb8;
	[tilespmem:$0x580] =	vst v63  }
0x17: {  	s29 =	simm.s32 $0x400  }
0x18: {  	[tilespmem:s29], [sflag:$0x2] =	stream.indirect.gather [hbm4b:s3+s25], $0x80, s23, s25, $0xb8;
	[tilespmem:$0x580] =	vst v63  }
0x19: {  	_ =	swait.ge [sflag:s25], $0x100  }
0x1a: {  	[sflag:s25] =	ssyncset.done $0x0  }
0x1b: {  	[sflag:s25] =	ssyncadd.s32 $0xFFFFFF00  }
0x1c: {  	_ =	swait.ge [sflag:s25], $0x100  }
0x1d: {  	[sflag:s25] =	ssyncset.done $0x0  }
0x1e: {  	[sflag:s25] =	ssyncadd.s32 $0xFFFFFF00  }
0x1f: {  	_ =	swait.ge [sflag:s25], $0x100  }
0x20: {  	[sflag:s25] =	ssyncset.done $0x0  }
0x21: {  	[sflag:s25] =	ssyncadd.s32 $0xFFFFFF00  }
0x22: {  	_ =	swait.ge [sflag:s25], $0x100  }
0x23: {  	[sflag:s25] =	ssyncset.done $0x0  }
0x24: {  	[sflag:s25] =	ssyncadd.s32 $0xFFFFFF00  }
0x25: {  	v0 =	vld [tilespmem:$0x100]  }
0x26: {  	v1 =	vld [tilespmem:$0x280]  }
0x27: {  	v2 =	vld [tilespmem:$0x300]  }
0x28: {  	v3 =	vld [tilespmem:$0x480]  }
0x29: {  	v4 =	vld [tilespmem:$0x110]  }
0x2a: {  	v5 =	vld [tilespmem:$0x290]  }
0x2b: {  	v6 =	vld [tilespmem:$0x310]  }
0x2c: {  	v7 =	vld [tilespmem:$0x490]  }
0x2d: {  	v8 =	vld [tilespmem:$0x120]  }
0x2e: {  	v9 =	vld [tilespmem:$0x2A0]  }
0x2f: {  	v10 =	vld [tilespmem:$0x320]  }
0x30: {  	v11 =	vld [tilespmem:$0x4A0]  }
0x31: {  	v12 =	vld [tilespmem:$0x130]  }
0x32: {  	v13 =	vld [tilespmem:$0x2B0]  }
0x33: {  	v14 =	vld [tilespmem:$0x330]  }
0x34: {  	v15 =	vld [tilespmem:$0x4B0]  }
0x35: {  	v16 =	vld [tilespmem:$0x140]  }
0x36: {  	v17 =	vld [tilespmem:$0x2C0]  }
0x37: {  	v18 =	vld [tilespmem:$0x340]  }
0x38: {  	v63 =	vld [tilespmem:$0x4C0]  }
0x39: {  	v19 =	vld [tilespmem:$0x150]  }
0x3a: {  	v20 =	vld [tilespmem:$0x2D0]  }
0x3b: {  	v21 =	vld [tilespmem:$0x350]  }
0x3c: {  	v23 =	vld [tilespmem:$0x4D0];
	v0 =	vmul.f32 v1, v0;
	v2 =	vmul.f32 v3, v2  }
0x3d: {  	v25 =	vld [tilespmem:$0x160];
	v4 =	vmul.f32 v5, v4  }
0x3e: {  	v27 =	vld [tilespmem:$0x2E0];
	v6 =	vmul.f32 v7, v6;
	v0 =	vadd.f32 $0.0e+00, v0;
	v2 =	vadd.f32 $0.0e+00, v2  }
0x3f: {  	v29 =	vld [tilespmem:$0x360];
	v22 =	vmul.f32 v9, v8  }
0x40: {  	v31 =	vld [tilespmem:$0x4E0];
	v24 =	vmul.f32 v11, v10;
	v0 =	vadd.f32 v4, v0;
	v2 =	vadd.f32 v6, v2  }
0x41: {  	v32 =	vld [tilespmem:$0x170];
	v26 =	vmul.f32 v13, v12  }
0x42: {  	v33 =	vld [tilespmem:$0x2F0];
	v28 =	vmul.f32 v15, v14;
	v0 =	vadd.f32 v22, v0;
	v2 =	vadd.f32 v24, v2  }
0x43: {  	v36 =	vld [tilespmem:$0x370];
	v30 =	vmul.f32 v17, v16  }
0x44: {  	v37 =	vld [tilespmem:$0x4F0];
	v1 =	vmul.f32 v63, v18;
	v0 =	vadd.f32 v26, v0;
	v2 =	vadd.f32 v28, v2  }
0x45: {  	v40 =	vimm.s32 $0xFEDCBA98;
	v41 =	vimm.s32 $0x76543210;
	v34 =	vmul.f32 v20, v19  }
0x46: {  	v35 =	vmul.f32 v23, v21;
	v0 =	vadd.f32 v30, v0;
	v1 =	vadd.f32 v1, v2  }
0x47: {  	v42 =	vunpack.c.l.s4.s8 v41;
	v38 =	vmul.f32 v27, v25;
	v8 =	vunpack.c.l.s4.s8 v40  }
0x48: {  	v39 =	vmul.f32 v31, v29;
	v0 =	vadd.f32 v34, v0;
	v1 =	vadd.f32 v35, v1  }
0x49: {  	v43 =	vmul.f32 v33, v32;
	v44 =	vmul.f32 v37, v36;
	v45 =	vunpack.c.0.s8.s32 v8  }
0x4a: {  	v2 =	vunpack.c.0.s8.s32 v42;
	v0 =	vadd.f32 v38, v0;
	v1 =	vadd.f32 v39, v1  }
0x4b: {  	v47 =	vimm.s32 $0xBA98FEDC;
	v48 =	vimm.s32 $0x32107654;
	v46 =	vand.u32 $0xF, v45  }
0x4c: {  	v2 =	vcombine.low v46, v2;
	v0 =	vadd.f32 v43, v0;
	v1 =	vadd.f32 v44, v1  }
0x4d: {  	v3 =	vunpack.c.l.s4.s8 v47;
	v4 =	vunpack.c.l.s4.s8 v48  }
0x4e: {  	vm0 =	vmmov $0xff;
	v49 =	vperm.xlane v0, v2;
	v50 =	vperm.xlane v1, v2  }
0x4f: {  	v51 =	vimm.s32 $0x98FEDCBA;
	v3 =	vunpack.c.0.s8.s32 v3;
	v4 =	vunpack.c.0.s8.s32 v4  }
0x50: {  	v52 =	vimm.s32 $0x10765432;
	v0 =	vadd.f32 v49, v0;
	v1 =	vadd.f32 v50, v1  }
0x51: {  	v53 =	vunpack.c.l.s4.s8 v51;
	v54 =	vunpack.c.l.s4.s8 v52;
	v3 =	vcombine.low v4, v3  }
0x52: {  	v56 =	vimm.s32 $0x7654321;
	v0 =	vsel vm0, v0, v1  }
0x53: {  	v4 =	vunpack.c.0.s8.s32 v54;
	v1 =	vunpack.c.0.s8.s32 v53;
	v3 =	vperm.xlane v0, v3  }
0x54: {  	v55 =	vimm.s32 $0x8FEDCBA9;
	v57 =	vunpack.c.l.s4.s8 v56  }
0x55: {  	v1 =	vcombine.low v4, v1;
	v0 =	vadd.f32 v0, v3;
	v3 =	vunpack.c.l.s4.s8 v55;
	_ =	sdelay $0x1  }
0x56: {  	v4 =	vunpack.c.0.s8.s32 v57;
	v1 =	vperm.xlane v0, v1;
	v3 =	vunpack.c.0.s8.s32 v3;
	_ =	sdelay $0x1  }
0x57: {  	v0 =	vadd.f32 v0, v1;
	v58 =	vcombine.low v4, v3;
	_ =	sdelay $0x1  }
0x58: {  	v1 =	vperm.xlane v0, v58;
	_ =	sdelay $0x1  }
0x59: {  	v0 =	vadd.f32 v0, v1;
	_ =	sdelay $0x1  }
0x5a: {  	v1 =	vsub.f32 $0.0e+00, v0;
	_ =	sdelay $0x1  }
0x5b: {  	v0 =	vsel vm0, v0, v1  }
0x5c: {  	v1 =	vand.u32 $0x7FFFFFFF, v0  }
0x5d: {  	v1 =	vsub.f32 $0.0e+00, v1;
	_ =	sdelay $0x1  }
0x5e: {  	v1 =	vmul.f32 $1.442695020e+00, v1;
	_ =	sdelay $0x1  }
0x5f: {  	(erf) = vpow2.f32 v1;
	_ =	sdelay $0x8  }
0x60: {  	v1 =	vpop (erf)  }
0x61: {  	v59 =	vadd.f32 $2.000000000e+00, v1;
	_ =	sdelay $0x1  }
0x62: {  	(erf) = vrcp.f32 v59;
	_ =	sdelay $0x7  }
0x63: {  	v60 =	vadd.f32 v1, v1  }
0x64: {  	v61 =	vpop (erf)  }
0x65: {  	v3 =	vmul.f32 v61, v60;
	_ =	sdelay $0x1  }
0x66: {  	v4 =	vsub.f32 $0.0e+00, v3;
	_ =	sdelay $0x1  }
0x67: {  	v4 =	vmul.f32 $1.442695020e+00, v4;
	_ =	sdelay $0x1  }
0x68: {  	(erf) = vpow2.f32 v4;
	_ =	sdelay $0x7  }
0x69: {  	v1 =	vadd.f32 $1.000000000e+00, v1  }
0x6a: {  	v4 =	vpop (erf)  }
0x6b: {  	v4 =	vmul.f32 v4, v1;
	_ =	sdelay $0x1  }
0x6c: {  	v3 =	vadd.f32 v4, v3;
	_ =	sdelay $0x1  }
0x6d: {  	v3 =	vadd.f32 $-1.000000000e+00, v3;
	_ =	sdelay $0x1  }
0x6e: {  	v62 =	vsub.f32 $0.0e+00, v3;
	_ =	sdelay $0x1  }
0x6f: {  	v4 =	vmul.f32 $1.442695020e+00, v62;
	_ =	sdelay $0x1  }
0x70: {  	(erf) = vpow2.f32 v4;
	_ =	sdelay $0x8  }
0x71: {  	v4 =	vpop (erf)  }
0x72: {  	v4 =	vmul.f32 v4, v1;
	_ =	sdelay $0x1  }
0x73: {  	v3 =	vadd.f32 v4, v3;
	_ =	sdelay $0x1  }
0x74: {  	v3 =	vadd.f32 $-1.000000000e+00, v3;
	_ =	sdelay $0x1  }
0x75: {  	v63 =	vsub.f32 $0.0e+00, v3;
	_ =	sdelay $0x1  }
0x76: {  	v4 =	vmul.f32 $1.442695020e+00, v63;
	_ =	sdelay $0x1  }
0x77: {  	(erf) = vpow2.f32 v4;
	_ =	sdelay $0x8  }
0x78: {  	v4 =	vpop (erf)  }
0x79: {  	v1 =	vmul.f32 v4, v1;
	_ =	sdelay $0x1  }
0x7a: {  	v1 =	vadd.f32 v1, v3  }
0x7b: {  	v0 =	vsub.f32 $0.0e+00, v0  }
0x7c: {  	v1 =	vadd.f32 $-1.000000000e+00, v1  }
0x7d: {  	v0 =	vmax.f32 v0, $0.0e+00  }
0x7e: {  	v0 =	vadd.f32 v1, v0;
	_ =	sdelay $0x1  }
0x7f: {  	v1 =	vperm.xlane v0, v2;
	_ =	sdelay $0x1  }
0x80: {  	v0 =	vadd.f32 v0, v1;
	_ =	sdelay $0x1  }
0x81: {  	s30 =	simm.s32 $0x500;
	s31 =	simm.s32 $0x3;
	[tilespmem:$0x500] =	vst v0  }
0x82: {  	[hbm4b:s1+s2] =	stream.linear.scatter [tilespmem:s30], [sflag:$0x3], $0x1, $0x38;
	[tilespmem:$0x580] =	vst v63  }
0x83: {  	_ =	swait.ge [sflag:s31], $0x1  }
0x84: {  	[sflag:s31] =	ssyncset.done $0x0  }
0x85: {  	[sflag:s31] =	ssyncadd.s32 $0xFFFFFFFF  }
.LBB2_2:
0x86: {  	_ =	sfence.sel $0x180000  }
0x87: {  	[bflag:$0x0] =	sbarrier.arrive $0xFFFF  }
0x88: {  	_ =	strace $0x90000047  }
0x89: {  	s0 =	sadd.s32 @!p0 $0x100000, s0;
	[bflag:$0x2] =	sbarrier.arrive $0xFFFF  }
0x8a: {  	[sflag:s0] =	ssyncadd.tile.s32 @!p0 $0x1;
	_ =	shalt  }
.Lfunc_end2:
_tile_overlayer_lowered:
.L_overlay_start_2:
0x8b: {  	(tag) =	ssettag $0x2  }
0x8c: {  	s0 =	rddreg [dreg:$0x0];
	s2 =	stileid.u32  }
0x8d: {  	s1 =	rddreg [dreg:$0x1];
	p0 =	sne.s32 s2, $0x0  }
0x8e: {  	s3 =	rddreg [dreg:$0x2];
	[bflag:$0x3] =	sbarrier.arrive $0xFFFF;
	s2 =	simm.s32 @!p0 $0x1C03  }
0x8f: {  	[timem:s3], [sflag:s2] =	dma.local @!p0 [hbm:s0], s1  }
0x90: {  	s0 =	simm.s32 @!p0 $0x3  }
0x91: {  	_ =	swait.ge @!p0 [sflag:s0], s1  }
0x92: {  	s1 =	ssub.s32 @!p0 $0x0, s1;
	[sflag:s0] =	ssyncset.done @!p0 $0x0  }
0x93: {  	[sflag:s0] =	ssyncadd.s32 @!p0 s1  }
0x94: {  	[bflag:$0x3] =	sbarrier.arrive $0xFFFF  }
0x95: {  	_ =	shalt  }

</sc_bundles>
